<compile_context>
chip_gen: v7x
topology: tpu7x:2x2x1
jax: 0.10.2.dev20260603
libtpu: 0.0.44.dev20260713+nightly
codegen_flags: <defaults>
</compile_context>

<pallas_src>
import jax
import jax.numpy as jnp
from jax.experimental import pallas as pl

_OUT_H, _OUT_W = 7, 7
_P = _OUT_H * _OUT_W
_SCALE = 0.25
_H = 256
_W = 256
_C = 128
_KB = 200


def _body(r_ref, pix_ref, o_ref):
    r = r_ref[...]
    cx = r[:, 1:2] * _SCALE
    cy = r[:, 2:3] * _SCALE
    w = r[:, 3:4] * _SCALE
    h = r[:, 4:5] * _SCALE
    th = r[:, 5:6] * _SCALE
    cos_t = jnp.cos(th)
    sin_t = jnp.sin(th)

    pi = jax.lax.broadcasted_iota(jnp.int32, (1, _P), 1)
    base_x = (pi % _OUT_W).astype(jnp.float32) / (_OUT_W - 1) - 0.5
    base_y = (pi // _OUT_W).astype(jnp.float32) / (_OUT_H - 1) - 0.5

    gx = base_x * w
    gy = base_y * h
    x_s = gx * cos_t - gy * sin_t + cx
    y_s = gx * sin_t + gy * cos_t + cy
    x_g = 2.0 * x_s / (_W - 1) - 1.0
    y_g = 2.0 * y_s / (_H - 1) - 1.0
    ix = ((x_g + 1.0) * _W - 1.0) * 0.5
    iy = ((y_g + 1.0) * _H - 1.0) * 0.5
    ix0 = jnp.floor(ix)
    iy0 = jnp.floor(iy)
    wx1 = ix - ix0
    wy1 = iy - iy0
    xf = ix0 + 1.0
    yf = iy0 + 1.0
    valid = (xf >= 0) & (xf <= _W - 1) & (yf >= 0) & (yf <= _H - 1)
    wgt = wy1 * wx1 * valid.astype(jnp.float32)

    o_ref[...] = jnp.tile(wgt, (1, _C)) * pix_ref[...]


@jax.jit
def kernel(features, rois):
    k = rois.shape[0]
    kpad = -(-k // _KB) * _KB
    r = jnp.pad(rois, ((0, kpad - k), (0, 8 - rois.shape[1])))
    pix = (features[0, :, 0, 0][:, None]
           * jnp.ones((1, _P), jnp.float32)).reshape(1, _C * _P)
    grid = kpad // _KB
    out = pl.pallas_call(
        _body,
        grid=(grid,),
        in_specs=[
            pl.BlockSpec((_KB, 8), lambda i: (i, 0)),
            pl.BlockSpec((1, _C * _P), lambda i: (0, 0)),
        ],
        out_specs=pl.BlockSpec((_KB, _C * _P), lambda i: (i, 0)),
        out_shape=jax.ShapeDtypeStruct((kpad, _C * _P), jnp.float32),
    )(r, pix)
    return out[:k].reshape(k, _C, _OUT_H, _OUT_W)

# --- scband reference (transcript-rebuilt; emitter-appended) ---
"""Pipeline reference for scband-differentiable-ro-ialign-rotated-18107582120057 (READ-ONLY COPY).

The authoritative reference and input builder live on the scoring server;
editing this copy changes nothing except your own understanding.
"""

import jax, jax.numpy as jnp
import numpy as np

OUT_H, OUT_W = 7, 7
SPATIAL_SCALE = 0.25


def setup_inputs(seed: int = 0) -> dict:
    key = jax.random.key(seed)
    k1, k2 = jax.random.split(key)
    features = jax.random.normal(k1, (1, 128, 256, 256), dtype=jnp.float32)
    rois = jax.random.uniform(k2, (5000, 6), dtype=jnp.float32)
    return {"features": features, "rois": rois}


def _roi_align_rotated(features, rois):
    N, C, H, W = features.shape
    K = rois.shape[0]
    # batch indices (integer cast, non-differentiable as in torch .long())
    batch_inds = jax.lax.stop_gradient(rois[:, 0]).astype(jnp.int32)
    rf = rois[:, 1:] * SPATIAL_SCALE
    cx = rf[:, 0][:, None]
    cy = rf[:, 1][:, None]
    w = rf[:, 2][:, None]
    h = rf[:, 3][:, None]
    theta = rf[:, 4][:, None]
    ys = jnp.linspace(-0.5, 0.5, OUT_H, dtype=features.dtype)
    xs = jnp.linspace(-0.5, 0.5, OUT_W, dtype=features.dtype)
    my, mx = jnp.meshgrid(ys, xs, indexing='ij')
    base_x = mx.reshape(-1)[None, :]  # (1, P)
    base_y = my.reshape(-1)[None, :]
    # clockwise=True
    cos_t = jnp.cos(theta)
    sin_t = jnp.sin(theta)
    gx = base_x * w
    gy = base_y * h
    x_sample = gx * cos_t - gy * sin_t + cx
    y_sample = gx * sin_t + gy * cos_t + cy
    x_grid = 2.0 * x_sample / max(W - 1, 1) - 1.0
    y_grid = 2.0 * y_sample / max(H - 1, 1) - 1.0
    # grid_sample: bilinear, padding_mode='zeros', align_corners=False
    ix = ((x_grid + 1.0) * W - 1.0) / 2.0
    iy = ((y_grid + 1.0) * H - 1.0) / 2.0
    ix0 = jnp.floor(ix)
    iy0 = jnp.floor(iy)
    wx1 = ix - ix0
    wx0 = 1.0 - wx1
    wy1 = iy - iy0
    wy0 = 1.0 - wy1
    feat_nhwc = jnp.transpose(features, (0, 2, 3, 1))  # (N, H, W, C)

    def gather(iyf, ixf):
        valid = (ixf >= 0) & (ixf <= W - 1) & (iyf >= 0) & (iyf <= H - 1)
        ixc = jnp.clip(ixf, 0, W - 1).astype(jnp.int32)
        iyc = jnp.clip(iyf, 0, H - 1).astype(jnp.int32)
        v = feat_nhwc[batch_inds[:, None], iyc, ixc]  # (K, P, C)
        return v * valid[..., None].astype(features.dtype)

    v00 = gather(iy0, ix0)
    v01 = gather(iy0, ix0 + 1.0)
    v10 = gather(iy0 + 1.0, ix0)
    v11 = gather(iy0 + 1.0, ix0 + 1.0)
    out = (v00 * (wy0 * wx0)[..., None] + v01 * (wy0 * wx1)[..., None]
           + v10 * (wy1 * wx0)[..., None] + v11 * (wy1 * wx1)[..., None])  # (K, P, C)
    out = jnp.transpose(out, (0, 2, 1)).reshape(K, features.shape[1], OUT_H, OUT_W)
    return out


def reference(features, rois):
    return _roi_align_rotated(features, rois)

if __name__ == "__main__":
    import jax
    _d = setup_inputs()
    print(jax.jit(kernel)(*tuple(_d.values())))

</pallas_src>

<mosaic_0001>
module attributes {stable_mosaic.version = 14 : i64} {
  func.func @_body(%arg0: i32, %arg1: memref<200x8xf32, #tpu.memory_space<vmem>>, %arg2: memref<1x6272xf32, #tpu.memory_space<vmem>>, %arg3: memref<200x6272xf32, #tpu.memory_space<vmem>>) attributes {dimension_semantics = [#tpu.dimension_semantics<arbitrary>], iteration_bounds = array<i64: 25>, scalar_prefetch = 0 : i64, scratch_operands = 0 : i64, tpu.core_type = #tpu.core_type<tc>, window_params = [{transform_indices = @transform_0, window_bounds = array<i64: 200, 8>}, {pipeline_mode = #tpu.pipeline_mode<synchronous>, transform_indices = @transform_1, window_bounds = array<i64: 1, 6272>}, {transform_indices = @transform_2, window_bounds = array<i64: 200, 6272>}]} {
    %get3A = arith.constant 0 : index
    %get3A_0 = arith.constant 0 : index
    %get3A_1 = vector.load %arg1[%get3A, %get3A_0] : memref<200x8xf32, #tpu.memory_space<vmem>>, vector<200x8xf32>
    %slice3A = vector.extract_strided_slice %get3A_1 {offsets = [0, 1], sizes = [200, 1], strides = [1, 1]} : vector<200x8xf32> to vector<200x1xf32>
    %mul3A = arith.constant 2.500000e-01 : f32
    %mul3A_2 = vector.broadcast %mul3A : f32 to vector<200x1xf32>
    %mul3A_3 = arith.mulf %slice3A, %mul3A_2 : vector<200x1xf32>
    %slice3A_4 = vector.extract_strided_slice %get3A_1 {offsets = [0, 2], sizes = [200, 1], strides = [1, 1]} : vector<200x8xf32> to vector<200x1xf32>
    %mul3A_5 = arith.constant 2.500000e-01 : f32
    %mul3A_6 = vector.broadcast %mul3A_5 : f32 to vector<200x1xf32>
    %mul3A_7 = arith.mulf %slice3A_4, %mul3A_6 : vector<200x1xf32>
    %slice3A_8 = vector.extract_strided_slice %get3A_1 {offsets = [0, 3], sizes = [200, 1], strides = [1, 1]} : vector<200x8xf32> to vector<200x1xf32>
    %mul3A_9 = arith.constant 2.500000e-01 : f32
    %mul3A_10 = vector.broadcast %mul3A_9 : f32 to vector<200x1xf32>
    %mul3A_11 = arith.mulf %slice3A_8, %mul3A_10 : vector<200x1xf32>
    %slice3A_12 = vector.extract_strided_slice %get3A_1 {offsets = [0, 4], sizes = [200, 1], strides = [1, 1]} : vector<200x8xf32> to vector<200x1xf32>
    %mul3A_13 = arith.constant 2.500000e-01 : f32
    %mul3A_14 = vector.broadcast %mul3A_13 : f32 to vector<200x1xf32>
    %mul3A_15 = arith.mulf %slice3A_12, %mul3A_14 : vector<200x1xf32>
    %slice3A_16 = vector.extract_strided_slice %get3A_1 {offsets = [0, 5], sizes = [200, 1], strides = [1, 1]} : vector<200x8xf32> to vector<200x1xf32>
    %mul3A_17 = arith.constant 2.500000e-01 : f32
    %mul3A_18 = vector.broadcast %mul3A_17 : f32 to vector<200x1xf32>
    %mul3A_19 = arith.mulf %slice3A_16, %mul3A_18 : vector<200x1xf32>
    %cos3A = math.cos %mul3A_19 : vector<200x1xf32>
    %sin3A = math.sin %mul3A_19 : vector<200x1xf32>
    %iota3A = tpu.iota {dimensions = array<i32: 1>} : vector<1x49xi32>
    %jit3A = arith.constant 7 : i32
    %eq3A = arith.constant 0 : i32
    %eq3A_20 = arith.cmpi eq, %jit3A, %eq3A : i32
    %jit3A_21 = arith.constant 1 : i32
    %select_n3A = arith.select %eq3A_20, %jit3A_21, %jit3A : i32
    %rem3A = vector.broadcast %select_n3A : i32 to vector<1x49xi32>
    %rem3A_22 = arith.remsi %iota3A, %rem3A : vector<1x49xi32>
    %ne3A = arith.constant 0 : i32
    %ne3A_23 = vector.broadcast %ne3A : i32 to vector<1x49xi32>
    %ne3A_24 = arith.cmpi ne, %rem3A_22, %ne3A_23 : vector<1x49xi32>
    %lt3A = arith.constant 0 : i32
    %lt3A_25 = vector.broadcast %lt3A : i32 to vector<1x49xi32>
    %lt3A_26 = arith.cmpi slt, %rem3A_22, %lt3A_25 : vector<1x49xi32>
    %lt3A_27 = arith.constant 0 : i32
    %lt3A_28 = arith.cmpi slt, %select_n3A, %lt3A_27 : i32
    %ne3A_29 = vector.broadcast %lt3A_28 : i1 to vector<1x49xi1>
    %ne3A_30 = vector.broadcast %ne3A_29 : vector<1x49xi1> to vector<1x49xi1>
    %ne3A_31 = arith.xori %lt3A_26, %ne3A_30 : vector<1x49xi1>
    %and3A = arith.andi %ne3A_31, %ne3A_24 : vector<1x49xi1>
    %add3A = vector.broadcast %select_n3A : i32 to vector<1x49xi32>
    %add3A_32 = arith.addi %rem3A_22, %add3A : vector<1x49xi32>
    %select_n3A_33 = arith.select %and3A, %add3A_32, %rem3A_22 : vector<1x49xi1>, vector<1x49xi32>
    %convert_element_type3A = arith.sitofp %select_n3A_33 : vector<1x49xi32> to vector<1x49xf32>
    %div3A = arith.constant 6.000000e+00 : f32
    %div3A_34 = vector.broadcast %div3A : f32 to vector<1x49xf32>
    %div3A_35 = arith.divf %convert_element_type3A, %div3A_34 : vector<1x49xf32>
    %sub3A = arith.constant 5.000000e-01 : f32
    %sub3A_36 = vector.broadcast %sub3A : f32 to vector<1x49xf32>
    %sub3A_37 = arith.subf %div3A_35, %sub3A_36 : vector<1x49xf32>
    %jit3A_38 = arith.constant 7 : i32
    %div3A_39 = vector.broadcast %jit3A_38 : i32 to vector<1x49xi32>
    %div3A_40 = arith.divsi %iota3A, %div3A_39 : vector<1x49xi32>
    %sign3A = arith.constant 0 : i32
    %sign3A_41 = vector.broadcast %sign3A : i32 to vector<1x49xi32>
    %sign3A_42 = arith.cmpi sgt, %iota3A, %sign3A_41 : vector<1x49xi32>
    %sign3A_43 = arith.extui %sign3A_42 : vector<1x49xi1> to vector<1x49xi32>
    %sign3A_44 = arith.constant 0 : i32
    %sign3A_45 = vector.broadcast %sign3A_44 : i32 to vector<1x49xi32>
    %sign3A_46 = arith.cmpi slt, %iota3A, %sign3A_45 : vector<1x49xi32>
    %sign3A_47 = arith.extui %sign3A_46 : vector<1x49xi1> to vector<1x49xi32>
    %sign3A_48 = arith.subi %sign3A_43, %sign3A_47 : vector<1x49xi32>
    %sign3A_49 = arith.constant 0 : i32
    %sign3A_50 = arith.cmpi sgt, %jit3A_38, %sign3A_49 : i32
    %sign3A_51 = arith.extui %sign3A_50 : i1 to i32
    %sign3A_52 = arith.constant 0 : i32
    %sign3A_53 = arith.cmpi slt, %jit3A_38, %sign3A_52 : i32
    %sign3A_54 = arith.extui %sign3A_53 : i1 to i32
    %sign3A_55 = arith.subi %sign3A_51, %sign3A_54 : i32
    %ne3A_56 = vector.broadcast %sign3A_55 : i32 to vector<1x49xi32>
    %ne3A_57 = arith.cmpi ne, %sign3A_48, %ne3A_56 : vector<1x49xi32>
    %rem3A_58 = vector.broadcast %jit3A_38 : i32 to vector<1x49xi32>
    %rem3A_59 = arith.remsi %iota3A, %rem3A_58 : vector<1x49xi32>
    %ne3A_60 = arith.constant 0 : i32
    %ne3A_61 = vector.broadcast %ne3A_60 : i32 to vector<1x49xi32>
    %ne3A_62 = arith.cmpi ne, %rem3A_59, %ne3A_61 : vector<1x49xi32>
    %and3A_63 = arith.andi %ne3A_57, %ne3A_62 : vector<1x49xi1>
    %sub3A_64 = arith.constant 1 : i32
    %sub3A_65 = vector.broadcast %sub3A_64 : i32 to vector<1x49xi32>
    %sub3A_66 = arith.subi %div3A_40, %sub3A_65 : vector<1x49xi32>
    %select_n3A_67 = arith.select %and3A_63, %sub3A_66, %div3A_40 : vector<1x49xi1>, vector<1x49xi32>
    %convert_element_type3A_68 = arith.sitofp %select_n3A_67 : vector<1x49xi32> to vector<1x49xf32>
    %div3A_69 = arith.constant 6.000000e+00 : f32
    %div3A_70 = vector.broadcast %div3A_69 : f32 to vector<1x49xf32>
    %div3A_71 = arith.divf %convert_element_type3A_68, %div3A_70 : vector<1x49xf32>
    %sub3A_72 = arith.constant 5.000000e-01 : f32
    %sub3A_73 = vector.broadcast %sub3A_72 : f32 to vector<1x49xf32>
    %sub3A_74 = arith.subf %div3A_71, %sub3A_73 : vector<1x49xf32>
    %mul3A_75 = vector.broadcast %sub3A_37 : vector<1x49xf32> to vector<200x49xf32>
    %mul3A_76 = vector.broadcast %mul3A_11 : vector<200x1xf32> to vector<200x49xf32>
    %mul3A_77 = arith.mulf %mul3A_75, %mul3A_76 : vector<200x49xf32>
    %mul3A_78 = vector.broadcast %sub3A_74 : vector<1x49xf32> to vector<200x49xf32>
    %mul3A_79 = vector.broadcast %mul3A_15 : vector<200x1xf32> to vector<200x49xf32>
    %mul3A_80 = arith.mulf %mul3A_78, %mul3A_79 : vector<200x49xf32>
    %mul3A_81 = vector.broadcast %cos3A : vector<200x1xf32> to vector<200x49xf32>
    %mul3A_82 = arith.mulf %mul3A_77, %mul3A_81 : vector<200x49xf32>
    %mul3A_83 = vector.broadcast %sin3A : vector<200x1xf32> to vector<200x49xf32>
    %mul3A_84 = arith.mulf %mul3A_80, %mul3A_83 : vector<200x49xf32>
    %sub3A_85 = arith.subf %mul3A_82, %mul3A_84 : vector<200x49xf32>
    %add3A_86 = vector.broadcast %mul3A_3 : vector<200x1xf32> to vector<200x49xf32>
    %add3A_87 = arith.addf %sub3A_85, %add3A_86 : vector<200x49xf32>
    %mul3A_88 = vector.broadcast %sin3A : vector<200x1xf32> to vector<200x49xf32>
    %mul3A_89 = arith.mulf %mul3A_77, %mul3A_88 : vector<200x49xf32>
    %mul3A_90 = vector.broadcast %cos3A : vector<200x1xf32> to vector<200x49xf32>
    %mul3A_91 = arith.mulf %mul3A_80, %mul3A_90 : vector<200x49xf32>
    %add3A_92 = arith.addf %mul3A_89, %mul3A_91 : vector<200x49xf32>
    %add3A_93 = vector.broadcast %mul3A_7 : vector<200x1xf32> to vector<200x49xf32>
    %add3A_94 = arith.addf %add3A_92, %add3A_93 : vector<200x49xf32>
    %mul3A_95 = arith.constant 2.000000e+00 : f32
    %mul3A_96 = vector.broadcast %mul3A_95 : f32 to vector<200x49xf32>
    %mul3A_97 = arith.mulf %mul3A_96, %add3A_87 : vector<200x49xf32>
    %div3A_98 = arith.constant 2.550000e+02 : f32
    %div3A_99 = vector.broadcast %div3A_98 : f32 to vector<200x49xf32>
    %div3A_100 = arith.divf %mul3A_97, %div3A_99 : vector<200x49xf32>
    %sub3A_101 = arith.constant 1.000000e+00 : f32
    %sub3A_102 = vector.broadcast %sub3A_101 : f32 to vector<200x49xf32>
    %sub3A_103 = arith.subf %div3A_100, %sub3A_102 : vector<200x49xf32>
    %mul3A_104 = arith.constant 2.000000e+00 : f32
    %mul3A_105 = vector.broadcast %mul3A_104 : f32 to vector<200x49xf32>
    %mul3A_106 = arith.mulf %mul3A_105, %add3A_94 : vector<200x49xf32>
    %div3A_107 = arith.constant 2.550000e+02 : f32
    %div3A_108 = vector.broadcast %div3A_107 : f32 to vector<200x49xf32>
    %div3A_109 = arith.divf %mul3A_106, %div3A_108 : vector<200x49xf32>
    %sub3A_110 = arith.constant 1.000000e+00 : f32
    %sub3A_111 = vector.broadcast %sub3A_110 : f32 to vector<200x49xf32>
    %sub3A_112 = arith.subf %div3A_109, %sub3A_111 : vector<200x49xf32>
    %add3A_113 = arith.constant 1.000000e+00 : f32
    %add3A_114 = vector.broadcast %add3A_113 : f32 to vector<200x49xf32>
    %add3A_115 = arith.addf %sub3A_103, %add3A_114 : vector<200x49xf32>
    %mul3A_116 = arith.constant 2.560000e+02 : f32
    %mul3A_117 = vector.broadcast %mul3A_116 : f32 to vector<200x49xf32>
    %mul3A_118 = arith.mulf %add3A_115, %mul3A_117 : vector<200x49xf32>
    %sub3A_119 = arith.constant 1.000000e+00 : f32
    %sub3A_120 = vector.broadcast %sub3A_119 : f32 to vector<200x49xf32>
    %sub3A_121 = arith.subf %mul3A_118, %sub3A_120 : vector<200x49xf32>
    %mul3A_122 = arith.constant 5.000000e-01 : f32
    %mul3A_123 = vector.broadcast %mul3A_122 : f32 to vector<200x49xf32>
    %mul3A_124 = arith.mulf %sub3A_121, %mul3A_123 : vector<200x49xf32>
    %add3A_125 = arith.constant 1.000000e+00 : f32
    %add3A_126 = vector.broadcast %add3A_125 : f32 to vector<200x49xf32>
    %add3A_127 = arith.addf %sub3A_112, %add3A_126 : vector<200x49xf32>
    %mul3A_128 = arith.constant 2.560000e+02 : f32
    %mul3A_129 = vector.broadcast %mul3A_128 : f32 to vector<200x49xf32>
    %mul3A_130 = arith.mulf %add3A_127, %mul3A_129 : vector<200x49xf32>
    %sub3A_131 = arith.constant 1.000000e+00 : f32
    %sub3A_132 = vector.broadcast %sub3A_131 : f32 to vector<200x49xf32>
    %sub3A_133 = arith.subf %mul3A_130, %sub3A_132 : vector<200x49xf32>
    %mul3A_134 = arith.constant 5.000000e-01 : f32
    %mul3A_135 = vector.broadcast %mul3A_134 : f32 to vector<200x49xf32>
    %mul3A_136 = arith.mulf %sub3A_133, %mul3A_135 : vector<200x49xf32>
    %floor3A = math.floor %mul3A_124 : vector<200x49xf32>
    %floor3A_137 = math.floor %mul3A_136 : vector<200x49xf32>
    %sub3A_138 = arith.subf %mul3A_124, %floor3A : vector<200x49xf32>
    %sub3A_139 = arith.subf %mul3A_136, %floor3A_137 : vector<200x49xf32>
    %add3A_140 = arith.constant 1.000000e+00 : f32
    %add3A_141 = vector.broadcast %add3A_140 : f32 to vector<200x49xf32>
    %add3A_142 = arith.addf %floor3A, %add3A_141 : vector<200x49xf32>
    %add3A_143 = arith.constant 1.000000e+00 : f32
    %add3A_144 = vector.broadcast %add3A_143 : f32 to vector<200x49xf32>
    %add3A_145 = arith.addf %floor3A_137, %add3A_144 : vector<200x49xf32>
    %ge3A = arith.constant 0.000000e+00 : f32
    %ge3A_146 = vector.broadcast %ge3A : f32 to vector<200x49xf32>
    %ge3A_147 = arith.cmpf oge, %add3A_142, %ge3A_146 : vector<200x49xf32>
    %le3A = arith.constant 2.550000e+02 : f32
    %le3A_148 = vector.broadcast %le3A : f32 to vector<200x49xf32>
    %le3A_149 = arith.cmpf ole, %add3A_142, %le3A_148 : vector<200x49xf32>
    %and3A_150 = arith.andi %ge3A_147, %le3A_149 : vector<200x49xi1>
    %ge3A_151 = arith.constant 0.000000e+00 : f32
    %ge3A_152 = vector.broadcast %ge3A_151 : f32 to vector<200x49xf32>
    %ge3A_153 = arith.cmpf oge, %add3A_145, %ge3A_152 : vector<200x49xf32>
    %and3A_154 = arith.andi %and3A_150, %ge3A_153 : vector<200x49xi1>
    %le3A_155 = arith.constant 2.550000e+02 : f32
    %le3A_156 = vector.broadcast %le3A_155 : f32 to vector<200x49xf32>
    %le3A_157 = arith.cmpf ole, %add3A_145, %le3A_156 : vector<200x49xf32>
    %and3A_158 = arith.andi %and3A_154, %le3A_157 : vector<200x49xi1>
    %mul3A_159 = arith.mulf %sub3A_139, %sub3A_138 : vector<200x49xf32>
    %convert_element_type3A_160 = arith.extui %and3A_158 : vector<200x49xi1> to vector<200x49xi32>
    %convert_element_type3A_161 = arith.sitofp %convert_element_type3A_160 : vector<200x49xi32> to vector<200x49xf32>
    %mul3A_162 = arith.mulf %mul3A_159, %convert_element_type3A_161 : vector<200x49xf32>
    %tile3A = tpu.concatenate %mul3A_162, %mul3A_162, %mul3A_162, %mul3A_162, %mul3A_162, %mul3A_162, %mul3A_162, %mul3A_162, %mul3A_162, %mul3A_162, %mul3A_162, %mul3A_162, %mul3A_162, %mul3A_162, %mul3A_162, %mul3A_162, %mul3A_162, %mul3A_162, %mul3A_162, %mul3A_162, %mul3A_162, %mul3A_162, %mul3A_162, %mul3A_162, %mul3A_162, %mul3A_162, %mul3A_162, %mul3A_162, %mul3A_162, %mul3A_162, %mul3A_162, %mul3A_162, %mul3A_162, %mul3A_162, %mul3A_162, %mul3A_162, %mul3A_162, %mul3A_162, %mul3A_162, %mul3A_162, %mul3A_162, %mul3A_162, %mul3A_162, %mul3A_162, %mul3A_162, %mul3A_162, %mul3A_162, %mul3A_162, %mul3A_162, %mul3A_162, %mul3A_162, %mul3A_162, %mul3A_162, %mul3A_162, %mul3A_162, %mul3A_162, %mul3A_162, %mul3A_162, %mul3A_162, %mul3A_162, %mul3A_162, %mul3A_162, %mul3A_162, %mul3A_162, %mul3A_162, %mul3A_162, %mul3A_162, %mul3A_162, %mul3A_162, %mul3A_162, %mul3A_162, %mul3A_162, %mul3A_162, %mul3A_162, %mul3A_162, %mul3A_162, %mul3A_162, %mul3A_162, %mul3A_162, %mul3A_162, %mul3A_162, %mul3A_162, %mul3A_162, %mul3A_162, %mul3A_162, %mul3A_162, %mul3A_162, %mul3A_162, %mul3A_162, %mul3A_162, %mul3A_162, %mul3A_162, %mul3A_162, %mul3A_162, %mul3A_162, %mul3A_162, %mul3A_162, %mul3A_162, %mul3A_162, %mul3A_162, %mul3A_162, %mul3A_162, %mul3A_162, %mul3A_162, %mul3A_162, %mul3A_162, %mul3A_162, %mul3A_162, %mul3A_162, %mul3A_162, %mul3A_162, %mul3A_162, %mul3A_162, %mul3A_162, %mul3A_162, %mul3A_162, %mul3A_162, %mul3A_162, %mul3A_162, %mul3A_162, %mul3A_162, %mul3A_162, %mul3A_162, %mul3A_162, %mul3A_162, %mul3A_162, %mul3A_162, %mul3A_162 in 1 : vector<200x49xf32>, vector<200x49xf32>, vector<200x49xf32>, vector<200x49xf32>, vector<200x49xf32>, vector<200x49xf32>, vector<200x49xf32>, vector<200x49xf32>, vector<200x49xf32>, vector<200x49xf32>, vector<200x49xf32>, vector<200x49xf32>, vector<200x49xf32>, vector<200x49xf32>, vector<200x49xf32>, vector<200x49xf32>, vector<200x49xf32>, vector<200x49xf32>, vector<200x49xf32>, vector<200x49xf32>, vector<200x49xf32>, vector<200x49xf32>, vector<200x49xf32>, vector<200x49xf32>, vector<200x49xf32>, vector<200x49xf32>, vector<200x49xf32>, vector<200x49xf32>, vector<200x49xf32>, vector<200x49xf32>, vector<200x49xf32>, vector<200x49xf32>, vector<200x49xf32>, vector<200x49xf32>, vector<200x49xf32>, vector<200x49xf32>, vector<200x49xf32>, vector<200x49xf32>, vector<200x49xf32>, vector<200x49xf32>, vector<200x49xf32>, vector<200x49xf32>, vector<200x49xf32>, vector<200x49xf32>, vector<200x49xf32>, vector<200x49xf32>, vector<200x49xf32>, vector<200x49xf32>, vector<200x49xf32>, vector<200x49xf32>, vector<200x49xf32>, vector<200x49xf32>, vector<200x49xf32>, vector<200x49xf32>, vector<200x49xf32>, vector<200x49xf32>, vector<200x49xf32>, vector<200x49xf32>, vector<200x49xf32>, vector<200x49xf32>, vector<200x49xf32>, vector<200x49xf32>, vector<200x49xf32>, vector<200x49xf32>, vector<200x49xf32>, vector<200x49xf32>, vector<200x49xf32>, vector<200x49xf32>, vector<200x49xf32>, vector<200x49xf32>, vector<200x49xf32>, vector<200x49xf32>, vector<200x49xf32>, vector<200x49xf32>, vector<200x49xf32>, vector<200x49xf32>, vector<200x49xf32>, vector<200x49xf32>, vector<200x49xf32>, vector<200x49xf32>, vector<200x49xf32>, vector<200x49xf32>, vector<200x49xf32>, vector<200x49xf32>, vector<200x49xf32>, vector<200x49xf32>, vector<200x49xf32>, vector<200x49xf32>, vector<200x49xf32>, vector<200x49xf32>, vector<200x49xf32>, vector<200x49xf32>, vector<200x49xf32>, vector<200x49xf32>, vector<200x49xf32>, vector<200x49xf32>, vector<200x49xf32>, vector<200x49xf32>, vector<200x49xf32>, vector<200x49xf32>, vector<200x49xf32>, vector<200x49xf32>, vector<200x49xf32>, vector<200x49xf32>, vector<200x49xf32>, vector<200x49xf32>, vector<200x49xf32>, vector<200x49xf32>, vector<200x49xf32>, vector<200x49xf32>, vector<200x49xf32>, vector<200x49xf32>, vector<200x49xf32>, vector<200x49xf32>, vector<200x49xf32>, vector<200x49xf32>, vector<200x49xf32>, vector<200x49xf32>, vector<200x49xf32>, vector<200x49xf32>, vector<200x49xf32>, vector<200x49xf32>, vector<200x49xf32>, vector<200x49xf32>, vector<200x49xf32>, vector<200x49xf32>, vector<200x49xf32>, vector<200x49xf32> -> vector<200x6272xf32>
    %get3A_163 = arith.constant 0 : index
    %get3A_164 = arith.constant 0 : index
    %get3A_165 = vector.load %arg2[%get3A_163, %get3A_164] : memref<1x6272xf32, #tpu.memory_space<vmem>>, vector<1x6272xf32>
    %mul3A_166 = vector.broadcast %get3A_165 : vector<1x6272xf32> to vector<200x6272xf32>
    %mul3A_167 = arith.mulf %tile3A, %mul3A_166 : vector<200x6272xf32>
    %swap3A = arith.constant 0 : index
    %swap3A_168 = arith.constant 0 : index
    %swap3A_169 = vector.load %arg3[%swap3A, %swap3A_168] : memref<200x6272xf32, #tpu.memory_space<vmem>>, vector<200x6272xf32>
    tpu.vector_store %arg3[%swap3A, %swap3A_168], %mul3A_167 {strides = array<i32>} : memref<200x6272xf32, #tpu.memory_space<vmem>>, vector<200x6272xf32>,
    return
  }
  func.func @transform_0(%arg0: i32) -> (i32, i32) {
    %c0_i32 = arith.constant 0 : i32
    %c0_i32_0 = arith.constant 0 : i32
    return %arg0, %c0_i32 : i32, i32
  }
  func.func @transform_1(%arg0: i32) -> (i32, i32) {
    %c0_i32 = arith.constant 0 : i32
    %c0_i32_0 = arith.constant 0 : i32
    %c0_i32_1 = arith.constant 0 : i32
    return %c0_i32, %c0_i32_0 : i32, i32
  }
  func.func @transform_2(%arg0: i32) -> (i32, i32) {
    %c0_i32 = arith.constant 0 : i32
    %c0_i32_0 = arith.constant 0 : i32
    return %arg0, %c0_i32 : i32, i32
  }
}

</mosaic_0001>

<sc_bundles>
// kernel: sparse-core-data-format-call.cloned.1.call-start
scs
called_computation_lowered:
.L_overlay_start_0:
0x0: {  	s2 =	sld [smem:$0x3FD9]  }
0x1: {  	s3 =	sld [smem:$0x3FFE];
	_ =	sdelay $0x1  }
0x2: {  	s1 =	srdreg.scid  }
0x3: {  	s0 =	sand.u32 $0x1, s1  }
0x4: {  	s18 =	sshll.u32 s0, $0xA;
	s2 =	sadd.s32 s3, s2  }
0x5: {  	s2 =	sadd.s32 s2, s18  }
0x6: {  	[smem:$0x3FC6] =	sst s2  }
0x7: {  	_ = 	snop  }
0x8: {  	s2 =	sld [smem:$0x3FD0];
	(tm) =	ssettm $0x1  }
0x9: {  	s19 =	sld [smem:$0x3FFB];
	_ =	sdelay $0x3  }
0xa: {  	_ =	strace s19  }
0xb: {  	s3 =	sld [smem:$0x3FFC];
	_ =	sdelay $0x3  }
0xc: {  	_ =	strace s3  }
0xd: {  	s3 =	sld [smem:$0x3FFD];
	_ =	sdelay $0x3  }
0xe: {  	_ =	strace s3  }
0xf: {  	_ =	strace $0x8FFFFFFF  }
0x10: {  	s20 =	sld [smem:$0x3FDB];
	_ =	sdelay $0x1  }
0x11: {  	s4 =	simm.s32 $_scs_section_size  }
0x12: {  	s5 =	simm.s32 $_size__tile_overlayer_lowered;
	s6 =	simm.s32 $_tile_overlayer_lowered  }
0x13: {  	s23 =	simm.s32 $0x1BFF;
	s22 =	sshll.u32 s6, $0x1;
	s3 =	sadd.s32 s4, s20  }
0x14: {  	s7 =	simm.s32 $0x0;
	s21 =	sshll.u32 s5, $0x1;
	s5 =	sadd.s32 s22, s3  }
0x15: {  	[timem:s7], [sflag:s23] =	dma.local [hbm:s5], s21  }
0x16: {  	_ =	swait.ge [sflag:s23], s21  }
0x17: {  	s4 =	ssub.s32 $0x0, s21;
	[sflag:s23] =	ssyncset.done $0x0  }
0x18: {  	[sflag:s23] =	ssyncadd.s32 s4;
	_ =	sdelay $0x1  }
0x19: {  	s24 =	simm.s32 $0x1B8B  }
0x1a: {  	_ =	swait.ge [sflag:s24], $0x1  }
0x1b: {  	[sflag:s24] =	ssyncset.done $0x0  }
0x1c: {  	s26 =	simm.s32 $0x1B8E;
	s25 =	sld [smem:$0x3FFE];
	[sflag:s24] =	ssyncadd.s32 $0xFFFFFFFF  }
0x1d: {  	s27 =	simm.s32 $execute0_lowered;
	[smem:$0x3FD2] =	sst s26  }
0x1e: {  	s5 =	sshll.u32 s27, $0x1;
	_ =	strace $0x80000046;
	[dreg:$0x1] =	wrdreg $0xFFFFFFFF  }
0x1f: {  	s28 =	simm.s32 $_size_execute0_lowered;
	s3 =	sadd.s32 s3, s5;
	[dreg:$0x0] =	wrdreg $0x0  }
0x20: {  	s5 =	sshll.u32 s28, $0x1;
	[dreg:$0x2] =	wrdreg s3  }
0x21: {  	[dreg:$0x3] =	wrdreg s5  }
0x22: {  	[dreg:$0x4] =	wrdreg $0xC0  }
0x23: {  	_ =	task [dreg:s7], $0x5FFFF  }
0x24: {  	[dreg:$0x1] =	wrdreg $0xFFFFFFFF  }
0x25: {  	[dreg:$0x0] =	wrdreg $0x60  }
0x26: {  	[dreg:$0x2] =	wrdreg s25  }
0x27: {  	[dreg:$0x3] =	wrdreg s2  }
0x28: {  	[dreg:$0x4] =	wrdreg $0x9  }
0x29: {  	_ =	task.clear_ibuf [dreg:s7], $0x5FFFF;
	_ =	strace $0x90000046  }
0x2a: {  	s29 =	simm.s32 $0x9;
	_ =	strace $0x80000048  }
0x2b: {  	_ =	swait.ge [sflag:s29], $0x1  }
0x2c: {  	[sflag:s29] =	ssyncadd.s32 $0xFFFFFFFF  }
0x2d: {  	_ =	strace $0x90000048  }
0x2e: {  	_ =	sfence  }
0x2f: {  	s30 =	sld [smem:$0x0];
	_ =	sdelay $0x2  }
0x30: {  	s31 =	sshll.u32 s1, $0xD;
	s1 =	sshrl.u32 s1, $0x2  }
0x31: {  	s3 =	sand.u32 $0x4000, s31;
	s1 =	sadd.s32 s1, s30  }
0x32: {  	s0 =	sor.u32 s3, s0;
	s1 =	sshll.u32 s1, $0x11  }
0x33: {  	s0 =	sor.u32 s1, s0  }
0x34: {  	s0 =	sadd.s32 $0x8F2B, s0  }
0x35: {  	[sflag:s0] =	ssyncadd.remote.s32 $0x1  }
0x36: {  	_ =	sfence.sel $0xFFFF  }
0x37: {  	[dreg:$0x0] =	wrdreg $0xFFFFFFFF;
	(pc) =	sbr.abs _section_cstart, $3  }
0x38: {  	[dreg:$0x1] =	wrdreg $0xFFFFFFFF  }
0x39: {  	_ =	task.clear_ibuf [dreg:s7], $0x2FFFF;
	_ =	strace $0x9FFFFFFF  }
0x3a: {  	(tm) =	ssettm $0x7FFFFFFF  }
0x3b: {  	_ =	shalt  }
tec
execute0_lowered:
.L_overlay_start_1:
0x0: {  	(tag) =	ssettag $0x1  }
0x1: {  	s7 =	rddreg [dreg:$0x0]  }
0x2: {  	s0 =	srdreg.scid;
	s2 =	rddreg [dreg:$0x1]  }
0x3: {  	s1 =	stileid.u32;
	_ =	strace $0x80000047;
	s5 =	simm.s32 $0x28  }
0x4: {  	s6 =	simm.s32 $0x1;
	s8 =	simm.s32 $0x2;
	s18 =	simm.s32 $0x0  }
0x5: {  	s20 =	simm.s32 $0x0;
	s21 =	simm.s32 $0x0;
	s19 =	simm.s32 $0x0  }
0x6: {  	s9 =	simm.s32 $0x0;
	s10 =	simm.s32 $0x0;
	s0 =	sshll.u32 s0, $0x4  }
0x7: {  	s11 =	simm.s32 $0x0;
	s12 =	simm.s32 $0x0;
	s3 =	sand.u32 $0x10, s0  }
0x8: {  	s13 =	simm.s32 $0x0;
	s16 =	simm.s32 $0x0;
	s3 =	sor.u32 s1, s3  }
.Ltmp0:
0x9: {  	s17 =	simm.s32 $0x0;
	s3 =	sshrl.u32 s3, $0x3;
	(pc) =	sbr.rel .LBB1_1-.Ltmp0, $4  }
0xa: {  	s4 =	sand.u32 $0x7, s1;
	[sflag:s6] =	ssyncpa.u1 $0x0;
	p0 =	seq.s32 s3, $0x3  }
0xb: {  	s7 =	sadd.s32 $0x3D4000, s7;
	p1 =	seq.s32 s4, $0x7;
	s5 =	simm.s32 @!p0 $0x50  }
0xc: {  	[sflag:s8] =	ssyncpa.u1 $0x0;
	s15 =	smov.u32 s4;
	s5 =	simm.s32 @p1 $0x0  }
0xd: {  	s14 =	smov.u32 s3;
	p0 =	por $0x0, $0x0;
	s8 =	sor.u32 $0x1, s5  }
.LBB1_4:
0xe: {  	v5 =	vld [tilespmem:s23+$0xFFFFFFD0]  }
0xf: {  	v58 =	vld [tilespmem:s23+$0xFFFFFFE0]  }
0x10: {  	v59 =	vld [tilespmem:s23+$0xFFFFFFF0]  }
0x11: {  	v60 =	vld [tilespmem:s23+$0x0]  }
0x12: {  	s27 =	sshll.u32 s9, $0x7;
	s28 =	sshll.u32 s12, $0x3;
	v61 =	vld [tilespmem:s23+$0x10]  }
0x13: {  	s26 =	sshra.s32 s26, $0x2;
	p1 =	sgt.s32 s11, $0x6;
	s31 =	sshra.s32 s11, $0x1F;
	v62 =	vld [tilespmem:s23+$0x20]  }
0x14: {  	p2 =	sgt.s32 s10, $0x6;
	s30 =	smov.u32 s10;
	v63 =	vld [tilespmem:s23+$0xFFFFFFC0];
	s23 =	smul.u32 $0x88B80, s11  }
0x15: {  	s29 =	sand.u32 $0xFFFFFC00, s27;
	s28 =	sand.u32 $0xFFFFFC00, s28;
	s27 =	sand.u32 $0x380, s27  }
0x16: {  	s25 =	sadd.s32 s26, s25;
	s30 =	simm.s32 @!p2 $0x6;
	s28 =	sadd.s32 s28, s29  }
0x17: {  	p2 =	sgt.s32 s9, $0x1308;
	s27 =	sor.u32 s27, s28;
	s28 =	smov.u32 s11  }
0x18: {  	s29 =	sand.u32 s31, s11;
	s31 =	sshra.s32 s10, $0x1F;
	s28 =	simm.s32 @!p1 $0x6  }
0x19: {  	s0 =	sand.u32 s31, s10;
	s31 =	sshra.s32 s9, $0x1F;
	s28 =	ssub.s32 s28, s29  }
0x1a: {  	s27 =	sshrl.u32 s27, $0x7;
	s31 =	sand.u32 s31, s9;
	s29 =	sadd.s32 $0xFFFFFFFA, s28  }
0x1b: {  	p1 =	sgt.s32 s29, $0x0;
	s29 =	ssub.s32 s30, s0;
	s30 =	smov.u32 s9  }
0x1c: {  	[tilespmem:s24+$0x2040 ss:$0x81] =	vst.msk $0xffff, v4;
	s26 =	smulhi.u32 $0x1A36E2F, s27;
	s0 =	sadd.s32 $0xFFFFFFFA, s29;
	s30 =	simm.s32 @!p2 $0x1308  }
0x1d: {  	[tilespmem:s24+$0x2850 ss:$0x81] =	vst.msk $0xffff, v3;
	p2 =	sgt.s32 s0, $0x0;
	s0 =	ssub.s32 s30, s31;
	s31 =	ssub.s32 $0x0, s12  }
0x1e: {  	[tilespmem:s24+$0x3060 ss:$0x81] =	vst.msk $0xffff, v2;
	s28 =	ssub.s32 $0x7, s28;
	s26 =	sshrl.u32 s26, $0x5;
	s30 =	smin.u32 s12, s31  }
0x1f: {  	[tilespmem:s24+$0x0 ss:$0x81] =	vst.msk $0xffff, v1;
	s28 =	simm.s32 @p1 $0x0;
	p1 =	sgt.s32 s30, $0x7F;
	s24 =	ssub.s32 $0x80, s30  }
0x20: {  	[tilespmem:s25+$0x3870 ss:$0x81] =	vst.msk $0xffff, v0;
	s26 =	smul.u32 $0x1388, s26;
	s24 =	simm.s32 @p1 $0x0  }
0x21: {  	s23 =	sadd.s32 s2, s23;
	[tilespmem:s25+$0x810 ss:$0x81] =	vst.msk $0xffff, v5;
	s29 =	ssub.s32 $0x7, s29;
	s24 =	smul.u32 s24, s28  }
0x22: {  	[tilespmem:s25+$0x1020 ss:$0x81] =	vst.msk $0xffff, v58;
	s29 =	simm.s32 @p2 $0x0;
	s31 =	sadd.s32 $0xFFFFECF8, s0;
	s0 =	ssub.s32 $0x1388, s0  }
0x23: {  	[tilespmem:s25+$0x1830 ss:$0x81] =	vst.msk $0xffff, v59;
	s30 =	sshrl.u32 s12, $0x3;
	p1 =	sgt.s32 s31, $0x7F;
	s24 =	smul.u32 s29, s24  }
0x24: {  	[tilespmem:s25+$0x2040 ss:$0x81] =	vst.msk $0xffff, v60;
	s31 =	smul.u32 $0x13880, s10;
	s0 =	simm.s32 @p1 $0x0;
	s28 =	sand.u32 $0xF, s30  }
0x25: {  	[tilespmem:s25+$0x2850 ss:$0x81] =	vst.msk $0xffff, v61;
	s26 =	ssub.s32 s27, s26;
	s23 =	sadd.s32 s28, s23;
	s0 =	smul.u32 s0, s24  }
0x26: {  	[tilespmem:s25+$0x3060 ss:$0x81] =	vst.msk $0xffff, v62;
	s30 =	sshll.u32 s26, $0x4;
	s23 =	sadd.s32 s31, s23  }
0x27: {  	[tilespmem:s25+$0x0 ss:$0x81] =	vst.msk $0xffff, v63;
	s31 =	sand.u32 $0x7, s12;
	s23 =	sadd.s32 s30, s23;
	s0 =	sand.u32 $0x3FFFFFFF, s0  }
0x28: {  	[hbm4b:s23+s31] =	stream.linear.scatter [tilespmem:s22], [sflag:$0x2], s0, $0x20;
	[tilespmem:$0x10100] =	vst v63  }
.LBB1_5:
0x29: {  	p1 =	slt.u32 s17, $0x2;
	s0 =	smov.u32 s21  }
0x2a: {  	s23 =	smov.u32 s14;
	s24 =	smov.u32 s15;
	s25 =	smov.u32 s16  }
0x2b: {  	p0 =	por !p0, !p0;
	p2 =	sgt.s32 @!p1 s21, $0x6;
	s22 =	sshra.s32 @!p1 s21, $0x1F  }
0x2c: {  	p3 =	sgt.s32 @!p1 s18, $0x1308;
	s26 =	simm.s32 @!p1 $0x2;
	p2 =	por !p2, p1  }
0x2d: {  	s21 =	sand.u32 @!p1 s22, s21;
	s22 =	sshra.s32 @!p1 s20, $0x1F;
	s0 =	simm.s32 @p2 $0x6  }
0x2e: {  	p3 =	por !p3, p1;
	p2 =	sgt.s32 @!p1 s20, $0x6;
	s0 =	ssub.s32 @!p1 s0, s21  }
0x2f: {  	p2 =	por !p2, p1;
	s21 =	smov.u32 s20;
	s20 =	sand.u32 @!p1 s22, s20  }
0x30: {  	s22 =	sadd.s32 @!p1 $0xFFFFFFFA, s0;
	s21 =	simm.s32 @p2 $0x6;
	s0 =	ssub.s32 @!p1 $0x7, s0  }
0x31: {  	p2 =	sgt.s32 @!p1 s22, $0x0;
	s20 =	ssub.s32 @!p1 s21, s20;
	s22 =	smov.u32 s18  }
0x32: {  	p2 =	por !p2, p1;
	s21 =	sadd.s32 @!p1 $0xFFFFFFFA, s20;
	s20 =	ssub.s32 @!p1 $0x7, s20  }
0x33: {  	s0 =	simm.s32 @!p2 $0x0;
	p2 =	sgt.s32 @!p1 s21, $0x0;
	s21 =	ssub.s32 @!p1 $0x0, s19  }
0x34: {  	s22 =	simm.s32 @p3 $0x1308;
	s19 =	smin.u32 @!p1 s19, s21;
	s21 =	sshra.s32 @!p1 s18, $0x1F  }
0x35: {  	p2 =	por !p2, p1;
	s18 =	sand.u32 @!p1 s21, s18;
	p3 =	sgt.s32 @!p1 s19, $0x7F  }
0x36: {  	s19 =	ssub.s32 @!p1 $0x80, s19;
	s20 =	simm.s32 @!p2 $0x0;
	s18 =	ssub.s32 @!p1 s22, s18  }
0x37: {  	p3 =	por !p3, p1;
	s22 =	sadd.s32 $0x80, s13;
	s21 =	sadd.s32 @!p1 $0xFFFFECF8, s18  }
0x38: {  	s19 =	simm.s32 @!p3 $0x0;
	s18 =	ssub.s32 @!p1 $0x1388, s18;
	p3 =	sgt.s32 s22, $0x1387  }
0x39: {  	p2 =	sgt.s32 @!p1 s21, $0x7F;
	s0 =	smul.u32 @!p1 s19, s0;
	s19 =	sadd.s32 $0x4, s14  }
0x3a: {  	p2 =	por !p2, p1;
	s23 =	smov.u32 @p3 s19;
	s19 =	sadd.s32 $0x8, s15  }
0x3b: {  	s0 =	smul.u32 @!p1 s20, s0;
	s18 =	simm.s32 @!p2 $0x0;
	p2 =	sgt.s32 s23, $0x6  }
0x3c: {  	s22 =	simm.s32 @p3 $0x0;
	s21 =	smov.u32 s11;
	s24 =	smov.u32 @p2 s19  }
0x3d: {  	s0 =	smul.u32 @!p1 s18, s0;
	p3 =	sgt.s32 s24, $0x6;
	s18 =	sadd.s32 $0x80, s16  }
0x3e: {  	s11 =	smov.u32 s15;
	s20 =	smov.u32 s10;
	s25 =	smov.u32 @p3 s18  }
0x3f: {  	s10 =	smov.u32 s14;
	s23 =	smov.u32 @p2 s3;
	p2 =	sgt.s32 s25, $0x7F  }
0x40: {  	s19 =	smov.u32 s12;
	s25 =	simm.s32 @p2 $0x0;
	p2 =	sne.s32 s17, s8  }
.Ltmp1:
0x41: {  	s12 =	smov.u32 s16;
	s14 =	smov.u32 s23;
	(pc) =	sbr.rel @!p2 .LBB1_6-.Ltmp1, $4  }
0x42: {  	s24 =	smov.u32 @p3 s4;
	s18 =	smov.u32 s9;
	s0 =	sand.u32 @!p1 $0x3FFFFFFF, s0  }
0x43: {  	s9 =	smov.u32 s13;
	s13 =	smov.u32 s22;
	_ =	swait.ge @!p1 [sflag:s26], s0  }
0x44: {  	s15 =	smov.u32 s24;
	s0 =	ssub.s32 @!p1 $0x0, s0;
	[sflag:s26] =	ssyncset.done @!p1 $0x0  }
0x45: {  	s17 =	sadd.s32 $0x1, s17;
	s16 =	smov.u32 s25;
	[sflag:s26] =	ssyncadd.s32 @!p1 s0  }
.LBB1_1:
0x46: {  	p1 =	sge.u32 s17, s5  }
0x47: {  	s22 =	sshrl.u32 @!p1 s14, $0x3  }
0x48: {  	s23 =	sshll.u32 @!p1 s13, $0x3;
	s24 =	sshll.u32 @!p1 s14, $0x7;
	s22 =	smul.u32 @!p1 $0xA000, s22  }
0x49: {  	s25 =	sand.u32 @!p1 $0x7F, s13;
	s23 =	sand.u32 @!p1 $0xFFFFFC00, s23;
	s24 =	sand.u32 @!p1 $0x380, s24  }
0x4a: {  	s22 =	sadd.s32 @!p1 s22, s23;
	s23 =	sor.u32 @!p1 s25, s24  }
0x4b: {  	s23 =	sor.u32 @!p1 s22, s23  }
0x4c: {  	s24 =	smulhi.u32 @!p1 $0xCCCCCCCD, s23  }
0x4d: {  	s22 =	smulhi.u32 @!p1 $0xCCCCCCCD, s22  }
0x4e: {  	s31 =	sadd.s32 $0xFFFFFFFF, s17;
	s26 =	smul.u32 @!p1 $0x8C00, s16;
	s24 =	sshrl.u32 @!p1 s24, $0xC  }
0x4f: {  	s25 =	sxor.u32 @!p1 $0xFFFFFFFF, s17;
	s22 =	sshrl.u32 @!p1 s22, $0xC;
	s24 =	smul.u32 @!p1 $0x1400, s24  }
0x50: {  	s27 =	smul.u32 @!p1 $0x1400, s15;
	s25 =	sshll.u32 @!p1 s25, $0xE;
	s22 =	sand.u32 @!p1 $0x7, s22  }
0x51: {  	s22 =	smul.u32 @!p1 $0x280, s22;
	s23 =	ssub.s32 @!p1 s23, s24;
	s24 =	sadd.s32 @!p1 s7, s26  }
0x52: {  	s25 =	sand.u32 @!p1 $0x4000, s25;
	s24 =	sadd.s32 @!p1 s27, s24;
	s26 =	sand.u32 @!p1 $0x7, s23  }
0x53: {  	s23 =	sshrl.u32 @!p1 s23, $0x3;
	s22 =	sadd.s32 @!p1 s22, s24;
	s24 =	sshll.u32 @!p1 s26, $0x12  }
0x54: {  	s22 =	sadd.s32 @!p1 s23, s22;
	s23 =	sor.u32 @!p1 $0x80, s24;
	s24 =	simm.s32 @!p1 $0x46000  }
0x55: {  	[tilespmem:s25], [sflag:$0x1] =	stream.strided.gather @!p1 [hbm4b:s22+s23], $0x4000, s24, s23, $0x38;
	[tilespmem:$0x10100] =	vst v63  }
0x56: {  	p1 =	sge.u32 s31, s5  }
.Ltmp2:
0x57: {  	_ = 	snop;
	(pc) =	sbr.rel @p1 .LBB1_5-.Ltmp2, $1  }
0x58: {  	_ =	sdelay $0x3  }
0x59: {  	s22 =	simm.s32 $0x1  }
0x5a: {  	_ =	swait.ge [sflag:s6], $0x4000;
	s22 =	simm.s32 @!p0 $0x0  }
0x5b: {  	[sflag:s6] =	ssyncset.done $0x0;
	s23 =	sshll.u32 s22, $0xE  }
0x5c: {  	[sflag:s6] =	ssyncadd.s32 $0xFFFFC000;
	s23 =	sor.u32 $0x40, s23  }
0x5d: {  	s22 =	smul.u32 $0x10200, s22;
	v0 =	vld [tilespmem:s23+$0x30]  }
0x5e: {  	v1 =	vld [tilespmem:s23+$0xFFFFFFD0]  }
0x5f: {  	s22 =	sshrl.u32 s22, $0x2;
	v5 =	vld [tilespmem:s23+$0xFFFFFFE0]  }
0x60: {  	v6 =	vld [tilespmem:s23+$0xFFFFFFF0];
	s25 =	sor.u32 $0x8000, s22  }
0x61: {  	s31 =	sand.u32 $0x1, s17;
	v4 =	vld [tilespmem:s23+$0x0];
	s24 =	sadd.s32 $0x0, s25  }
0x62: {  	v3 =	vld [tilespmem:s23+$0x10];
	s22 =	smul.u32 $0x10200, s31;
	[tilespmem:s24+$0x3870 ss:$0x81] =	vst.msk $0xffff, v0  }
0x63: {  	v2 =	vld [tilespmem:s23+$0x20];
	[tilespmem:s24+$0x810 ss:$0x81] =	vst.msk $0xffff, v1  }
0x64: {  	s22 =	sshrl.u32 s22, $0x2;
	v1 =	vld [tilespmem:s23+$0xFFFFFFC0];
	[tilespmem:s24+$0x1020 ss:$0x81] =	vst.msk $0xffff, v5;
	s23 =	sadd.s32 $0x80, s23  }
0x65: {  	s26 =	simm.s32 $0x4;
	s27 =	simm.s32 $0x8;
	s22 =	sor.u32 $0x8000, s22;
	[tilespmem:s24+$0x1830 ss:$0x81] =	vst.msk $0xffff, v6;
	v0 =	vld [tilespmem:s23+$0x30]  }
.LBB1_3:
0x66: {  	p1 =	sne.s32 s27, $0x1FC;
	v5 =	vld [tilespmem:s23+$0xFFFFFFD0];
	[tilespmem:s24+$0x2040 ss:$0x81] =	vst.msk $0xffff, v4  }
0x67: {  	v6 =	vld [tilespmem:s23+$0xFFFFFFE0];
	[tilespmem:s24+$0x2850 ss:$0x81] =	vst.msk $0xffff, v3  }
0x68: {  	s28 =	sshra.s32 s26, $0x2;
	s26 =	smov.u32 s27;
	v7 =	vld [tilespmem:s23+$0xFFFFFFF0];
	[tilespmem:s24+$0x3060 ss:$0x81] =	vst.msk $0xffff, v2  }
.Ltmp3:
0x69: {  	v4 =	vld [tilespmem:s23+$0x0];
	[tilespmem:s24+$0x0 ss:$0x81] =	vst.msk $0xffff, v1;
	s24 =	sadd.s32 s28, s25;
	(pc) =	sbr.rel @p1 .LBB1_3-.Ltmp3, $4  }
0x6a: {  	v3 =	vld [tilespmem:s23+$0x10];
	[tilespmem:s24+$0x3870 ss:$0x81] =	vst.msk $0xffff, v0  }
0x6b: {  	[tilespmem:s24+$0x810 ss:$0x81] =	vst.msk $0xffff, v5;
	v2 =	vld [tilespmem:s23+$0x20]  }
0x6c: {  	v1 =	vld [tilespmem:s23+$0xFFFFFFC0];
	[tilespmem:s24+$0x1020 ss:$0x81] =	vst.msk $0xffff, v6;
	s23 =	sadd.s32 $0x80, s23  }
0x6d: {  	s27 =	sadd.s32 $0x4, s27;
	v0 =	vld [tilespmem:s23+$0x30];
	[tilespmem:s24+$0x1830 ss:$0x81] =	vst.msk $0xffff, v7  }
.Ltmp4:
0x6e: {  	_ = 	snop;
	(pc) =	sbr.rel .LBB1_4-.Ltmp4, $1  }
0x6f: {  	_ =	sdelay $0x3  }
.LBB1_6:
0x70: {  	_ =	sfence.sel $0x180000  }
0x71: {  	s0 =	simm.s32 $0x1;
	[bflag:$0x0] =	sbarrier.arrive $0xFFFF  }
0x72: {  	s31 =	simm.s32 $0x2;
	[sflag:s0] =	ssyncpa.u1 $0x1  }
0x73: {  	[sflag:s31] =	ssyncpa.u1 $0x1  }
0x74: {  	_ =	strace $0x90000047  }
0x75: {  	[bflag:$0x2] =	sbarrier.arrive $0xFFFF  }
0x76: {  	p0 =	sne.s32 s1, $0x0;
	s0 =	rddreg [dreg:$0x2]  }
0x77: {  	s0 =	sadd.s32 @!p0 $0x100000, s0  }
0x78: {  	[sflag:s0] =	ssyncadd.tile.s32 @!p0 $0x1;
	_ =	shalt  }
.Lfunc_end1:
_tile_overlayer_lowered:
.L_overlay_start_2:
0x79: {  	(tag) =	ssettag $0x2  }
0x7a: {  	s0 =	rddreg [dreg:$0x0];
	s2 =	stileid.u32  }
0x7b: {  	s1 =	rddreg [dreg:$0x1];
	p0 =	sne.s32 s2, $0x0  }
0x7c: {  	s3 =	rddreg [dreg:$0x2];
	[bflag:$0x3] =	sbarrier.arrive $0xFFFF;
	s2 =	simm.s32 @!p0 $0x1C01  }
0x7d: {  	[timem:s3], [sflag:s2] =	dma.local @!p0 [hbm:s0], s1  }
0x7e: {  	s0 =	simm.s32 @!p0 $0x1  }
0x7f: {  	_ =	swait.ge @!p0 [sflag:s0], s1  }
0x80: {  	s1 =	ssub.s32 @!p0 $0x0, s1;
	[sflag:s0] =	ssyncset.done @!p0 $0x0  }
0x81: {  	[sflag:s0] =	ssyncadd.s32 @!p0 s1  }
0x82: {  	[bflag:$0x3] =	sbarrier.arrive $0xFFFF  }
0x83: {  	_ =	shalt  }

</sc_bundles>
